<compile_context>
chip_gen: v7x
topology: tpu7x:2x2x1
jax: 0.10.2.dev20260603
libtpu: 0.0.44.dev20260713+nightly
codegen_flags: <defaults>
</compile_context>

<pallas_src>
import jax
import jax.numpy as jnp
from jax import lax
from jax.experimental import pallas as pl
from jax.experimental.pallas import tpu as pltpu
from jax.experimental.pallas import tpu_sc as plsc

B = 16384
D = 64
N = 1000000
NW = 32
BPW = B // NW
BLK = 20480
GRID = (N + BLK - 1) // BLK


def _tc_body(wu_ref, wm_ref, ut_ref, mt_ref, su_ref, sm_ref):
    su_ref[...] = jnp.dot(wu_ref[...], ut_ref[...],
                          preferred_element_type=jnp.float32)[0]
    sm_ref[...] = jnp.dot(wm_ref[...], mt_ref[...],
                          preferred_element_type=jnp.float32)[0]


def _tc_scan(ut_t, mt_t, wu, wm):
    return pl.pallas_call(
        _tc_body,
        grid=(GRID,),
        in_specs=[
            pl.BlockSpec((1, D), lambda i: (0, 0)),
            pl.BlockSpec((1, D), lambda i: (0, 0)),
            pl.BlockSpec((D, BLK), lambda i: (0, i)),
            pl.BlockSpec((D, BLK), lambda i: (0, i)),
        ],
        out_specs=[
            pl.BlockSpec((BLK,), lambda i: (i,)),
            pl.BlockSpec((BLK,), lambda i: (i,)),
        ],
        out_shape=[
            jax.ShapeDtypeStruct((N,), jnp.float32),
            jax.ShapeDtypeStruct((N,), jnp.float32),
        ],
    )(wu, wm, ut_t, mt_t)


def _sc_body(uid_hbm, mid_hbm, su_hbm, sm_hbm, bias_hbm, out_hbm,
             idx_u, idx_m, g_u, g_m, bv, outv, sem):
    wid = lax.axis_index("s") * 2 + lax.axis_index("c")
    base = wid * BPW

    pltpu.sync_copy(uid_hbm.at[pl.ds(base, BPW)], idx_u)
    pltpu.sync_copy(mid_hbm.at[pl.ds(base, BPW)], idx_m)
    pltpu.sync_copy(bias_hbm, bv)

    copies = []
    for j in range(BPW // 128):
        sl = pl.ds(j * 128, 128)
        copies.append(pltpu.async_copy(su_hbm.at[idx_u.at[sl]], g_u.at[sl], sem))
        copies.append(pltpu.async_copy(sm_hbm.at[idx_m.at[sl]], g_m.at[sl], sem))
    for c in copies:
        c.wait()

    bvec = bv[pl.ds(0, 16)]

    def body(g, carry):
        sl = pl.ds(g * 16, 16)
        outv[sl] = g_u[sl] + g_m[sl] + bvec
        return carry

    lax.fori_loop(0, BPW // 16, body, 0)
    pltpu.sync_copy(outv, out_hbm.at[pl.ds(base, BPW)])


def _sc_gather(uid, mid, su, sm, bias16):
    mesh = plsc.VectorSubcoreMesh(core_axis_name="c", subcore_axis_name="s")
    return pl.kernel(
        _sc_body,
        out_type=jax.ShapeDtypeStruct((B,), jnp.float32),
        mesh=mesh,
        scratch_types=[
            pltpu.VMEM((BPW,), jnp.int32),
            pltpu.VMEM((BPW,), jnp.int32),
            pltpu.VMEM((BPW,), jnp.float32),
            pltpu.VMEM((BPW,), jnp.float32),
            pltpu.VMEM((16,), jnp.float32),
            pltpu.VMEM((BPW,), jnp.float32),
            pltpu.SemaphoreType.DMA,
        ],
    )(uid, mid, su, sm, bias16)


@jax.jit
def kernel(user_id, movie_id, user_table, movie_table, W, b):
    uid = user_id.astype(jnp.int32)
    mid = movie_id.astype(jnp.int32)
    wu = W[:D, 0][None, :]
    wm = W[D:, 0][None, :]
    su, sm = _tc_scan(user_table.T, movie_table.T, wu, wm)
    bias16 = jnp.full((16,), b[0], jnp.float32)
    out = _sc_gather(uid, mid, su, sm, bias16)
    return out[:, None]

# --- scband reference (transcript-rebuilt; emitter-appended) ---
"""Pipeline reference for scband-rec-sys-model-2551210574047 (READ-ONLY COPY).

The authoritative reference and input builder live on the scoring server;
editing this copy changes nothing except your own understanding.
"""

import jax, jax.numpy as jnp
import numpy as np

N_USERS = 1000000
N_MOVIES = 1000000
N_FACTORS = 64
BATCH = 16384


def setup_inputs(seed: int = 0) -> dict:
    key = jax.random.key(seed)
    k1, k2, k3, k4, k5 = jax.random.split(key, 5)
    user_id = jax.random.randint(k1, (BATCH,), 0, N_USERS, dtype=jnp.int64 if jax.config.read('jax_enable_x64') else jnp.int32)
    movie_id = jax.random.randint(k2, (BATCH,), 0, N_MOVIES, dtype=jnp.int64 if jax.config.read('jax_enable_x64') else jnp.int32)
    user_table = jax.random.normal(k3, (N_USERS, N_FACTORS), dtype=jnp.float32) * 0.01
    movie_table = jax.random.normal(k4, (N_MOVIES, N_FACTORS), dtype=jnp.float32) * 0.01
    # NOTE: the torch code concatenates to 2*n_factors before the Linear;
    # we size the Linear weight accordingly so the math is well-defined.
    kw, kb = jax.random.split(k5)
    W = jax.random.normal(kw, (2 * N_FACTORS, 1), dtype=jnp.float32) * 0.05
    b = jnp.zeros((1,), dtype=jnp.float32)
    return {"user_id": user_id, "movie_id": movie_id, "user_table": user_table, "movie_table": movie_table, "W": W, "b": b}


def reference(user_id, movie_id, user_table, movie_table, W, b):
    # embedding lookups (gather)
    user_factors = jnp.take(user_table, user_id, axis=0)    # [B, n_factors]
    movie_factors = jnp.take(movie_table, movie_id, axis=0)  # [B, n_factors]
    out = jnp.concatenate([user_factors, movie_factors], axis=1)  # [B, 2*n_factors]
    out = out @ W + b  # Linear -> [B, 1]
    return out

if __name__ == "__main__":
    import jax
    _d = setup_inputs()
    print(jax.jit(kernel)(*tuple(_d.values())))

</pallas_src>

<mosaic_0001>
#map = affine_map<(d0, d1) -> (0)>
module attributes {stable_mosaic.version = 14 : i64} {
  func.func @_sc_body(%arg0: i32, %arg1: i32, %arg2: memref<16384xi32, #tpu.memory_space<hbm>>, %arg3: memref<16384xi32, #tpu.memory_space<hbm>>, %arg4: memref<1000000xf32, #tpu.memory_space<hbm>>, %arg5: memref<1000000xf32, #tpu.memory_space<hbm>>, %arg6: memref<16xf32, #tpu.memory_space<hbm>>, %arg7: memref<16384xf32, #tpu.memory_space<hbm>>, %arg8: memref<512xi32, #tpu.memory_space<vmem>>, %arg9: memref<512xi32, #tpu.memory_space<vmem>>, %arg10: memref<512xf32, #tpu.memory_space<vmem>>, %arg11: memref<512xf32, #tpu.memory_space<vmem>>, %arg12: memref<16xf32, #tpu.memory_space<vmem>>, %arg13: memref<512xf32, #tpu.memory_space<vmem>>, %arg14: memref<!tpu.dma_semaphore, #tpu.memory_space<semaphore_mem>>) attributes {dimension_semantics = [#tpu.dimension_semantics<core_parallel>, #tpu.dimension_semantics<subcore_parallel>], iteration_bounds = array<i64: 2, 16>, scalar_prefetch = 0 : i64, scratch_operands = 7 : i64, tpu.core_type = #tpu.core_type<sc_vector_subcore>, window_params = [{transform_indices = #map}, {transform_indices = #map}, {transform_indices = #map}, {transform_indices = #map}, {transform_indices = #map}, {transform_indices = #map}]} {
    %mul3A = arith.constant 2 : i32
    %mul3A_0 = arith.muli %arg1, %mul3A : i32
    %add3A = arith.addi %mul3A_0, %arg0 : i32
    %mul3A_1 = arith.constant 512 : i32
    %mul3A_2 = arith.muli %add3A, %mul3A_1 : i32
    "tpu.region"() ({
      %run_scoped3A = tpu.sem_alloc : memref<!tpu.dma_semaphore, #tpu.memory_space<semaphore_mem>>
      %dma_start3A_104 = tpu.memref_slice %arg2[%mul3A_2] : memref<16384xi32, #tpu.memory_space<hbm>> -> memref<512xi32, #tpu.memory_space<hbm>>
      %dma_start3A_105 = tpu.memref_slice %arg2[%mul3A_2] : memref<16384xi32, #tpu.memory_space<hbm>> -> memref<512xi32, #tpu.memory_space<hbm>>
      tpu.enqueue_dma source(%dma_start3A_105 : memref<512xi32, #tpu.memory_space<hbm>>) target(%arg8 : memref<512xi32, #tpu.memory_space<vmem>>) target_semaphore(%run_scoped3A : memref<!tpu.dma_semaphore, #tpu.memory_space<semaphore_mem>>)
      %dma_wait3A_106 = tpu.memref_slice %arg2[%mul3A_2] : memref<16384xi32, #tpu.memory_space<hbm>> -> memref<512xi32, #tpu.memory_space<hbm>>
      %dma_wait3A_107 = tpu.memref_slice %arg2[%mul3A_2] : memref<16384xi32, #tpu.memory_space<hbm>> -> memref<512xi32, #tpu.memory_space<hbm>>
      tpu.wait_dma2 semaphore(%run_scoped3A : memref<!tpu.dma_semaphore, #tpu.memory_space<semaphore_mem>>) src(%dma_wait3A_107 : memref<512xi32, #tpu.memory_space<hbm>>) dst(%arg8 : memref<512xi32, #tpu.memory_space<vmem>>)
      tpu.yield
    }) : () -> ()
    "tpu.region"() ({
      %run_scoped3A = tpu.sem_alloc : memref<!tpu.dma_semaphore, #tpu.memory_space<semaphore_mem>>
      %dma_start3A_104 = tpu.memref_slice %arg3[%mul3A_2] : memref<16384xi32, #tpu.memory_space<hbm>> -> memref<512xi32, #tpu.memory_space<hbm>>
      %dma_start3A_105 = tpu.memref_slice %arg3[%mul3A_2] : memref<16384xi32, #tpu.memory_space<hbm>> -> memref<512xi32, #tpu.memory_space<hbm>>
      tpu.enqueue_dma source(%dma_start3A_105 : memref<512xi32, #tpu.memory_space<hbm>>) target(%arg9 : memref<512xi32, #tpu.memory_space<vmem>>) target_semaphore(%run_scoped3A : memref<!tpu.dma_semaphore, #tpu.memory_space<semaphore_mem>>)
      %dma_wait3A_106 = tpu.memref_slice %arg3[%mul3A_2] : memref<16384xi32, #tpu.memory_space<hbm>> -> memref<512xi32, #tpu.memory_space<hbm>>
      %dma_wait3A_107 = tpu.memref_slice %arg3[%mul3A_2] : memref<16384xi32, #tpu.memory_space<hbm>> -> memref<512xi32, #tpu.memory_space<hbm>>
      tpu.wait_dma2 semaphore(%run_scoped3A : memref<!tpu.dma_semaphore, #tpu.memory_space<semaphore_mem>>) src(%dma_wait3A_107 : memref<512xi32, #tpu.memory_space<hbm>>) dst(%arg9 : memref<512xi32, #tpu.memory_space<vmem>>)
      tpu.yield
    }) : () -> ()
    "tpu.region"() ({
      %run_scoped3A = tpu.sem_alloc : memref<!tpu.dma_semaphore, #tpu.memory_space<semaphore_mem>>
      tpu.enqueue_dma source(%arg6 : memref<16xf32, #tpu.memory_space<hbm>>) target(%arg12 : memref<16xf32, #tpu.memory_space<vmem>>) target_semaphore(%run_scoped3A : memref<!tpu.dma_semaphore, #tpu.memory_space<semaphore_mem>>)
      tpu.wait_dma2 semaphore(%run_scoped3A : memref<!tpu.dma_semaphore, #tpu.memory_space<semaphore_mem>>) src(%arg6 : memref<16xf32, #tpu.memory_space<hbm>>) dst(%arg12 : memref<16xf32, #tpu.memory_space<vmem>>)
      tpu.yield
    }) : () -> ()
    %dma_start3A = arith.constant 0 : i32
    %dma_start3A_3 = tpu.memref_slice %arg10[%dma_start3A] : memref<512xf32, #tpu.memory_space<vmem>> -> memref<128xf32, #tpu.memory_space<vmem>>
    %dma_start3A_4 = arith.constant 0 : i32
    %dma_start3A_5 = tpu.memref_slice %arg8[%dma_start3A_4] : memref<512xi32, #tpu.memory_space<vmem>> -> memref<128xi32, #tpu.memory_space<vmem>>
    %dma_start3A_6 = arith.constant 0 : i32
    %dma_start3A_7 = tpu.memref_slice %arg4[%dma_start3A_6] : memref<1000000xf32, #tpu.memory_space<hbm>> -> memref<1000000xf32, #tpu.memory_space<hbm>>
    tpu.enqueue_indirect_dma source(%dma_start3A_7 : memref<1000000xf32, #tpu.memory_space<hbm>>) target(%dma_start3A_3 : memref<128xf32, #tpu.memory_space<vmem>>) offsets(%dma_start3A_5 : memref<128xi32, #tpu.memory_space<vmem>>) semaphore(%arg14 : memref<!tpu.dma_semaphore, #tpu.memory_space<semaphore_mem>>)
    %dma_start3A_8 = arith.constant 0 : i32
    %dma_start3A_9 = tpu.memref_slice %arg11[%dma_start3A_8] : memref<512xf32, #tpu.memory_space<vmem>> -> memref<128xf32, #tpu.memory_space<vmem>>
    %dma_start3A_10 = arith.constant 0 : i32
    %dma_start3A_11 = tpu.memref_slice %arg9[%dma_start3A_10] : memref<512xi32, #tpu.memory_space<vmem>> -> memref<128xi32, #tpu.memory_space<vmem>>
    %dma_start3A_12 = arith.constant 0 : i32
    %dma_start3A_13 = tpu.memref_slice %arg5[%dma_start3A_12] : memref<1000000xf32, #tpu.memory_space<hbm>> -> memref<1000000xf32, #tpu.memory_space<hbm>>
    tpu.enqueue_indirect_dma source(%dma_start3A_13 : memref<1000000xf32, #tpu.memory_space<hbm>>) target(%dma_start3A_9 : memref<128xf32, #tpu.memory_space<vmem>>) offsets(%dma_start3A_11 : memref<128xi32, #tpu.memory_space<vmem>>) semaphore(%arg14 : memref<!tpu.dma_semaphore, #tpu.memory_space<semaphore_mem>>)
    %dma_start3A_14 = arith.constant 128 : i32
    %dma_start3A_15 = tpu.memref_slice %arg10[%dma_start3A_14] : memref<512xf32, #tpu.memory_space<vmem>> -> memref<128xf32, #tpu.memory_space<vmem>>
    %dma_start3A_16 = arith.constant 128 : i32
    %dma_start3A_17 = tpu.memref_slice %arg8[%dma_start3A_16] : memref<512xi32, #tpu.memory_space<vmem>> -> memref<128xi32, #tpu.memory_space<vmem>>
    %dma_start3A_18 = arith.constant 0 : i32
    %dma_start3A_19 = tpu.memref_slice %arg4[%dma_start3A_18] : memref<1000000xf32, #tpu.memory_space<hbm>> -> memref<1000000xf32, #tpu.memory_space<hbm>>
    tpu.enqueue_indirect_dma source(%dma_start3A_19 : memref<1000000xf32, #tpu.memory_space<hbm>>) target(%dma_start3A_15 : memref<128xf32, #tpu.memory_space<vmem>>) offsets(%dma_start3A_17 : memref<128xi32, #tpu.memory_space<vmem>>) semaphore(%arg14 : memref<!tpu.dma_semaphore, #tpu.memory_space<semaphore_mem>>)
    %dma_start3A_20 = arith.constant 128 : i32
    %dma_start3A_21 = tpu.memref_slice %arg11[%dma_start3A_20] : memref<512xf32, #tpu.memory_space<vmem>> -> memref<128xf32, #tpu.memory_space<vmem>>
    %dma_start3A_22 = arith.constant 128 : i32
    %dma_start3A_23 = tpu.memref_slice %arg9[%dma_start3A_22] : memref<512xi32, #tpu.memory_space<vmem>> -> memref<128xi32, #tpu.memory_space<vmem>>
    %dma_start3A_24 = arith.constant 0 : i32
    %dma_start3A_25 = tpu.memref_slice %arg5[%dma_start3A_24] : memref<1000000xf32, #tpu.memory_space<hbm>> -> memref<1000000xf32, #tpu.memory_space<hbm>>
    tpu.enqueue_indirect_dma source(%dma_start3A_25 : memref<1000000xf32, #tpu.memory_space<hbm>>) target(%dma_start3A_21 : memref<128xf32, #tpu.memory_space<vmem>>) offsets(%dma_start3A_23 : memref<128xi32, #tpu.memory_space<vmem>>) semaphore(%arg14 : memref<!tpu.dma_semaphore, #tpu.memory_space<semaphore_mem>>)
    %dma_start3A_26 = arith.constant 256 : i32
    %dma_start3A_27 = tpu.memref_slice %arg10[%dma_start3A_26] : memref<512xf32, #tpu.memory_space<vmem>> -> memref<128xf32, #tpu.memory_space<vmem>>
    %dma_start3A_28 = arith.constant 256 : i32
    %dma_start3A_29 = tpu.memref_slice %arg8[%dma_start3A_28] : memref<512xi32, #tpu.memory_space<vmem>> -> memref<128xi32, #tpu.memory_space<vmem>>
    %dma_start3A_30 = arith.constant 0 : i32
    %dma_start3A_31 = tpu.memref_slice %arg4[%dma_start3A_30] : memref<1000000xf32, #tpu.memory_space<hbm>> -> memref<1000000xf32, #tpu.memory_space<hbm>>
    tpu.enqueue_indirect_dma source(%dma_start3A_31 : memref<1000000xf32, #tpu.memory_space<hbm>>) target(%dma_start3A_27 : memref<128xf32, #tpu.memory_space<vmem>>) offsets(%dma_start3A_29 : memref<128xi32, #tpu.memory_space<vmem>>) semaphore(%arg14 : memref<!tpu.dma_semaphore, #tpu.memory_space<semaphore_mem>>)
    %dma_start3A_32 = arith.constant 256 : i32
    %dma_start3A_33 = tpu.memref_slice %arg11[%dma_start3A_32] : memref<512xf32, #tpu.memory_space<vmem>> -> memref<128xf32, #tpu.memory_space<vmem>>
    %dma_start3A_34 = arith.constant 256 : i32
    %dma_start3A_35 = tpu.memref_slice %arg9[%dma_start3A_34] : memref<512xi32, #tpu.memory_space<vmem>> -> memref<128xi32, #tpu.memory_space<vmem>>
    %dma_start3A_36 = arith.constant 0 : i32
    %dma_start3A_37 = tpu.memref_slice %arg5[%dma_start3A_36] : memref<1000000xf32, #tpu.memory_space<hbm>> -> memref<1000000xf32, #tpu.memory_space<hbm>>
    tpu.enqueue_indirect_dma source(%dma_start3A_37 : memref<1000000xf32, #tpu.memory_space<hbm>>) target(%dma_start3A_33 : memref<128xf32, #tpu.memory_space<vmem>>) offsets(%dma_start3A_35 : memref<128xi32, #tpu.memory_space<vmem>>) semaphore(%arg14 : memref<!tpu.dma_semaphore, #tpu.memory_space<semaphore_mem>>)
    %dma_start3A_38 = arith.constant 384 : i32
    %dma_start3A_39 = tpu.memref_slice %arg10[%dma_start3A_38] : memref<512xf32, #tpu.memory_space<vmem>> -> memref<128xf32, #tpu.memory_space<vmem>>
    %dma_start3A_40 = arith.constant 384 : i32
    %dma_start3A_41 = tpu.memref_slice %arg8[%dma_start3A_40] : memref<512xi32, #tpu.memory_space<vmem>> -> memref<128xi32, #tpu.memory_space<vmem>>
    %dma_start3A_42 = arith.constant 0 : i32
    %dma_start3A_43 = tpu.memref_slice %arg4[%dma_start3A_42] : memref<1000000xf32, #tpu.memory_space<hbm>> -> memref<1000000xf32, #tpu.memory_space<hbm>>
    tpu.enqueue_indirect_dma source(%dma_start3A_43 : memref<1000000xf32, #tpu.memory_space<hbm>>) target(%dma_start3A_39 : memref<128xf32, #tpu.memory_space<vmem>>) offsets(%dma_start3A_41 : memref<128xi32, #tpu.memory_space<vmem>>) semaphore(%arg14 : memref<!tpu.dma_semaphore, #tpu.memory_space<semaphore_mem>>)
    %dma_start3A_44 = arith.constant 384 : i32
    %dma_start3A_45 = tpu.memref_slice %arg11[%dma_start3A_44] : memref<512xf32, #tpu.memory_space<vmem>> -> memref<128xf32, #tpu.memory_space<vmem>>
    %dma_start3A_46 = arith.constant 384 : i32
    %dma_start3A_47 = tpu.memref_slice %arg9[%dma_start3A_46] : memref<512xi32, #tpu.memory_space<vmem>> -> memref<128xi32, #tpu.memory_space<vmem>>
    %dma_start3A_48 = arith.constant 0 : i32
    %dma_start3A_49 = tpu.memref_slice %arg5[%dma_start3A_48] : memref<1000000xf32, #tpu.memory_space<hbm>> -> memref<1000000xf32, #tpu.memory_space<hbm>>
    tpu.enqueue_indirect_dma source(%dma_start3A_49 : memref<1000000xf32, #tpu.memory_space<hbm>>) target(%dma_start3A_45 : memref<128xf32, #tpu.memory_space<vmem>>) offsets(%dma_start3A_47 : memref<128xi32, #tpu.memory_space<vmem>>) semaphore(%arg14 : memref<!tpu.dma_semaphore, #tpu.memory_space<semaphore_mem>>)
    %dma_wait3A = arith.constant 0 : i32
    %dma_wait3A_50 = tpu.memref_slice %arg10[%dma_wait3A] : memref<512xf32, #tpu.memory_space<vmem>> -> memref<128xf32, #tpu.memory_space<vmem>>
    %dma_wait3A_51 = arith.constant 0 : i32
    %dma_wait3A_52 = tpu.memref_slice %arg8[%dma_wait3A_51] : memref<512xi32, #tpu.memory_space<vmem>> -> memref<128xi32, #tpu.memory_space<vmem>>
    %dma_wait3A_53 = arith.constant 0 : i32
    %dma_wait3A_54 = tpu.memref_slice %arg4[%dma_wait3A_53] : memref<1000000xf32, #tpu.memory_space<hbm>> -> memref<1000000xf32, #tpu.memory_space<hbm>>
    tpu.wait_indirect_dma semaphore(%arg14 : memref<!tpu.dma_semaphore, #tpu.memory_space<semaphore_mem>>) src(%dma_wait3A_54 : memref<1000000xf32, #tpu.memory_space<hbm>>) dst(%dma_wait3A_50 : memref<128xf32, #tpu.memory_space<vmem>>)
    %dma_wait3A_55 = arith.constant 0 : i32
    %dma_wait3A_56 = tpu.memref_slice %arg11[%dma_wait3A_55] : memref<512xf32, #tpu.memory_space<vmem>> -> memref<128xf32, #tpu.memory_space<vmem>>
    %dma_wait3A_57 = arith.constant 0 : i32
    %dma_wait3A_58 = tpu.memref_slice %arg9[%dma_wait3A_57] : memref<512xi32, #tpu.memory_space<vmem>> -> memref<128xi32, #tpu.memory_space<vmem>>
    %dma_wait3A_59 = arith.constant 0 : i32
    %dma_wait3A_60 = tpu.memref_slice %arg5[%dma_wait3A_59] : memref<1000000xf32, #tpu.memory_space<hbm>> -> memref<1000000xf32, #tpu.memory_space<hbm>>
    tpu.wait_indirect_dma semaphore(%arg14 : memref<!tpu.dma_semaphore, #tpu.memory_space<semaphore_mem>>) src(%dma_wait3A_60 : memref<1000000xf32, #tpu.memory_space<hbm>>) dst(%dma_wait3A_56 : memref<128xf32, #tpu.memory_space<vmem>>)
    %dma_wait3A_61 = arith.constant 128 : i32
    %dma_wait3A_62 = tpu.memref_slice %arg10[%dma_wait3A_61] : memref<512xf32, #tpu.memory_space<vmem>> -> memref<128xf32, #tpu.memory_space<vmem>>
    %dma_wait3A_63 = arith.constant 128 : i32
    %dma_wait3A_64 = tpu.memref_slice %arg8[%dma_wait3A_63] : memref<512xi32, #tpu.memory_space<vmem>> -> memref<128xi32, #tpu.memory_space<vmem>>
    %dma_wait3A_65 = arith.constant 0 : i32
    %dma_wait3A_66 = tpu.memref_slice %arg4[%dma_wait3A_65] : memref<1000000xf32, #tpu.memory_space<hbm>> -> memref<1000000xf32, #tpu.memory_space<hbm>>
    tpu.wait_indirect_dma semaphore(%arg14 : memref<!tpu.dma_semaphore, #tpu.memory_space<semaphore_mem>>) src(%dma_wait3A_66 : memref<1000000xf32, #tpu.memory_space<hbm>>) dst(%dma_wait3A_62 : memref<128xf32, #tpu.memory_space<vmem>>)
    %dma_wait3A_67 = arith.constant 128 : i32
    %dma_wait3A_68 = tpu.memref_slice %arg11[%dma_wait3A_67] : memref<512xf32, #tpu.memory_space<vmem>> -> memref<128xf32, #tpu.memory_space<vmem>>
    %dma_wait3A_69 = arith.constant 128 : i32
    %dma_wait3A_70 = tpu.memref_slice %arg9[%dma_wait3A_69] : memref<512xi32, #tpu.memory_space<vmem>> -> memref<128xi32, #tpu.memory_space<vmem>>
    %dma_wait3A_71 = arith.constant 0 : i32
    %dma_wait3A_72 = tpu.memref_slice %arg5[%dma_wait3A_71] : memref<1000000xf32, #tpu.memory_space<hbm>> -> memref<1000000xf32, #tpu.memory_space<hbm>>
    tpu.wait_indirect_dma semaphore(%arg14 : memref<!tpu.dma_semaphore, #tpu.memory_space<semaphore_mem>>) src(%dma_wait3A_72 : memref<1000000xf32, #tpu.memory_space<hbm>>) dst(%dma_wait3A_68 : memref<128xf32, #tpu.memory_space<vmem>>)
    %dma_wait3A_73 = arith.constant 256 : i32
    %dma_wait3A_74 = tpu.memref_slice %arg10[%dma_wait3A_73] : memref<512xf32, #tpu.memory_space<vmem>> -> memref<128xf32, #tpu.memory_space<vmem>>
    %dma_wait3A_75 = arith.constant 256 : i32
    %dma_wait3A_76 = tpu.memref_slice %arg8[%dma_wait3A_75] : memref<512xi32, #tpu.memory_space<vmem>> -> memref<128xi32, #tpu.memory_space<vmem>>
    %dma_wait3A_77 = arith.constant 0 : i32
    %dma_wait3A_78 = tpu.memref_slice %arg4[%dma_wait3A_77] : memref<1000000xf32, #tpu.memory_space<hbm>> -> memref<1000000xf32, #tpu.memory_space<hbm>>
    tpu.wait_indirect_dma semaphore(%arg14 : memref<!tpu.dma_semaphore, #tpu.memory_space<semaphore_mem>>) src(%dma_wait3A_78 : memref<1000000xf32, #tpu.memory_space<hbm>>) dst(%dma_wait3A_74 : memref<128xf32, #tpu.memory_space<vmem>>)
    %dma_wait3A_79 = arith.constant 256 : i32
    %dma_wait3A_80 = tpu.memref_slice %arg11[%dma_wait3A_79] : memref<512xf32, #tpu.memory_space<vmem>> -> memref<128xf32, #tpu.memory_space<vmem>>
    %dma_wait3A_81 = arith.constant 256 : i32
    %dma_wait3A_82 = tpu.memref_slice %arg9[%dma_wait3A_81] : memref<512xi32, #tpu.memory_space<vmem>> -> memref<128xi32, #tpu.memory_space<vmem>>
    %dma_wait3A_83 = arith.constant 0 : i32
    %dma_wait3A_84 = tpu.memref_slice %arg5[%dma_wait3A_83] : memref<1000000xf32, #tpu.memory_space<hbm>> -> memref<1000000xf32, #tpu.memory_space<hbm>>
    tpu.wait_indirect_dma semaphore(%arg14 : memref<!tpu.dma_semaphore, #tpu.memory_space<semaphore_mem>>) src(%dma_wait3A_84 : memref<1000000xf32, #tpu.memory_space<hbm>>) dst(%dma_wait3A_80 : memref<128xf32, #tpu.memory_space<vmem>>)
    %dma_wait3A_85 = arith.constant 384 : i32
    %dma_wait3A_86 = tpu.memref_slice %arg10[%dma_wait3A_85] : memref<512xf32, #tpu.memory_space<vmem>> -> memref<128xf32, #tpu.memory_space<vmem>>
    %dma_wait3A_87 = arith.constant 384 : i32
    %dma_wait3A_88 = tpu.memref_slice %arg8[%dma_wait3A_87] : memref<512xi32, #tpu.memory_space<vmem>> -> memref<128xi32, #tpu.memory_space<vmem>>
    %dma_wait3A_89 = arith.constant 0 : i32
    %dma_wait3A_90 = tpu.memref_slice %arg4[%dma_wait3A_89] : memref<1000000xf32, #tpu.memory_space<hbm>> -> memref<1000000xf32, #tpu.memory_space<hbm>>
    tpu.wait_indirect_dma semaphore(%arg14 : memref<!tpu.dma_semaphore, #tpu.memory_space<semaphore_mem>>) src(%dma_wait3A_90 : memref<1000000xf32, #tpu.memory_space<hbm>>) dst(%dma_wait3A_86 : memref<128xf32, #tpu.memory_space<vmem>>)
    %dma_wait3A_91 = arith.constant 384 : i32
    %dma_wait3A_92 = tpu.memref_slice %arg11[%dma_wait3A_91] : memref<512xf32, #tpu.memory_space<vmem>> -> memref<128xf32, #tpu.memory_space<vmem>>
    %dma_wait3A_93 = arith.constant 384 : i32
    %dma_wait3A_94 = tpu.memref_slice %arg9[%dma_wait3A_93] : memref<512xi32, #tpu.memory_space<vmem>> -> memref<128xi32, #tpu.memory_space<vmem>>
    %dma_wait3A_95 = arith.constant 0 : i32
    %dma_wait3A_96 = tpu.memref_slice %arg5[%dma_wait3A_95] : memref<1000000xf32, #tpu.memory_space<hbm>> -> memref<1000000xf32, #tpu.memory_space<hbm>>
    tpu.wait_indirect_dma semaphore(%arg14 : memref<!tpu.dma_semaphore, #tpu.memory_space<semaphore_mem>>) src(%dma_wait3A_96 : memref<1000000xf32, #tpu.memory_space<hbm>>) dst(%dma_wait3A_92 : memref<128xf32, #tpu.memory_space<vmem>>)
    %get3A = arith.constant 0 : index
    %get3A_97 = tpu.vector_load %arg12[%get3A] {strides = array<i32>} : memref<16xf32, #tpu.memory_space<vmem>>, vector<16xf32>,
    %get3A_98 = vector.shape_cast %get3A_97 : vector<16xf32> to vector<16xf32>
    %scan3A = arith.constant 0 : i32
    %scan3A_99 = arith.constant 0 : i32
    %scan3A_100 = arith.constant 32 : i32
    %scan3A_101 = arith.addi %scan3A_99, %scan3A_100 : i32
    %scan3A_102 = arith.constant 1 : i32
    scf.for %scan3A_104 = %scan3A_99 to %scan3A_101 step %scan3A_102  : i32 {
      %mul3A_105 = arith.constant 16 : i32
      %mul3A_106 = arith.muli %scan3A_104, %mul3A_105 : i32
      %get3A_107 = arith.index_cast %mul3A_106 : i32 to index
      %get3A_108 = tpu.vector_load %arg10[%get3A_107] {strides = array<i32>} : memref<512xf32, #tpu.memory_space<vmem>>, vector<16xf32>,
      %get3A_109 = vector.shape_cast %get3A_108 : vector<16xf32> to vector<16xf32>
      %get3A_110 = arith.index_cast %mul3A_106 : i32 to index
      %get3A_111 = tpu.vector_load %arg11[%get3A_110] {strides = array<i32>} : memref<512xf32, #tpu.memory_space<vmem>>, vector<16xf32>,
      %get3A_112 = vector.shape_cast %get3A_111 : vector<16xf32> to vector<16xf32>
      %add3A_113 = arith.addf %get3A_109, %get3A_112 : vector<16xf32>
      %add3A_114 = arith.addf %add3A_113, %get3A_98 : vector<16xf32>
      %swap3A = arith.index_cast %mul3A_106 : i32 to index
      %swap3A_115 = tpu.vector_load %arg13[%swap3A] {strides = array<i32>} : memref<512xf32, #tpu.memory_space<vmem>>, vector<16xf32>,
      %swap3A_116 = vector.shape_cast %swap3A_115 : vector<16xf32> to vector<16xf32>
      %swap3A_117 = vector.shape_cast %add3A_114 : vector<16xf32> to vector<16xf32>
      tpu.vector_store %arg13[%swap3A], %swap3A_117 {strides = array<i32>} : memref<512xf32, #tpu.memory_space<vmem>>, vector<16xf32>,
    }
    %scan3A_103 = arith.constant 32 : i32
    "tpu.region"() ({
      %run_scoped3A = tpu.sem_alloc : memref<!tpu.dma_semaphore, #tpu.memory_space<semaphore_mem>>
      %dma_start3A_104 = tpu.memref_slice %arg7[%mul3A_2] : memref<16384xf32, #tpu.memory_space<hbm>> -> memref<512xf32, #tpu.memory_space<hbm>>
      %dma_start3A_105 = tpu.memref_slice %arg7[%mul3A_2] : memref<16384xf32, #tpu.memory_space<hbm>> -> memref<512xf32, #tpu.memory_space<hbm>>
      tpu.enqueue_dma source(%arg13 : memref<512xf32, #tpu.memory_space<vmem>>) target(%dma_start3A_105 : memref<512xf32, #tpu.memory_space<hbm>>) target_semaphore(%run_scoped3A : memref<!tpu.dma_semaphore, #tpu.memory_space<semaphore_mem>>)
      %dma_wait3A_106 = tpu.memref_slice %arg7[%mul3A_2] : memref<16384xf32, #tpu.memory_space<hbm>> -> memref<512xf32, #tpu.memory_space<hbm>>
      %dma_wait3A_107 = tpu.memref_slice %arg7[%mul3A_2] : memref<16384xf32, #tpu.memory_space<hbm>> -> memref<512xf32, #tpu.memory_space<hbm>>
      tpu.wait_dma2 semaphore(%run_scoped3A : memref<!tpu.dma_semaphore, #tpu.memory_space<semaphore_mem>>) src(%arg13 : memref<512xf32, #tpu.memory_space<vmem>>) dst(%dma_wait3A_107 : memref<512xf32, #tpu.memory_space<hbm>>)
      tpu.yield
    }) : () -> ()
    return
  }
}

module attributes {stable_mosaic.version = 14 : i64} {
  func.func @_tc_body(%arg0: i32, %arg1: memref<1x64xf32, #tpu.memory_space<vmem>>, %arg2: memref<1x64xf32, #tpu.memory_space<vmem>>, %arg3: memref<64x20480xf32, #tpu.memory_space<vmem>>, %arg4: memref<64x20480xf32, #tpu.memory_space<vmem>>, %arg5: memref<20480xf32, #tpu.memory_space<vmem>>, %arg6: memref<20480xf32, #tpu.memory_space<vmem>>) attributes {dimension_semantics = [#tpu.dimension_semantics<arbitrary>], iteration_bounds = array<i64: 49>, scalar_prefetch = 0 : i64, scratch_operands = 0 : i64, tpu.core_type = #tpu.core_type<tc>, window_params = [{pipeline_mode = #tpu.pipeline_mode<synchronous>, transform_indices = @transform_0, window_bounds = array<i64: 1, 64>}, {pipeline_mode = #tpu.pipeline_mode<synchronous>, transform_indices = @transform_1, window_bounds = array<i64: 1, 64>}, {transform_indices = @transform_2, window_bounds = array<i64: 64, 20480>}, {transform_indices = @transform_3, window_bounds = array<i64: 64, 20480>}, {transform_indices = @transform_4, window_bounds = array<i64: 20480>}, {transform_indices = @transform_5, window_bounds = array<i64: 20480>}]} {
    %get3A = arith.constant 0 : index
    %get3A_0 = arith.constant 0 : index
    %get3A_1 = vector.load %arg1[%get3A, %get3A_0] : memref<1x64xf32, #tpu.memory_space<vmem>>, vector<1x64xf32>
    %get3A_2 = arith.constant 0 : index
    %get3A_3 = arith.constant 0 : index
    %get3A_4 = vector.load %arg3[%get3A_2, %get3A_3] : memref<64x20480xf32, #tpu.memory_space<vmem>>, vector<64x20480xf32>
    %dot_general3A = arith.constant dense<0.000000e+00> : vector<1x20480xf32>
    %dot_general3A_5 = tpu.matmul %get3A_1, %get3A_4, %dot_general3A {dimension_numbers = #tpu.dot_dimension_numbers<[1], [0], [0], [1], [0, 0, 1, 1], [], []>, transpose_lhs_hint = false} : vector<1x64xf32>, vector<64x20480xf32>, vector<1x20480xf32> -> vector<1x20480xf32>
    %squeeze3A = vector.shape_cast %dot_general3A_5 : vector<1x20480xf32> to vector<20480xf32>
    %swap3A = arith.constant 0 : index
    %swap3A_6 = vector.load %arg5[%swap3A] : memref<20480xf32, #tpu.memory_space<vmem>>, vector<20480xf32>
    tpu.vector_store %arg5[%swap3A], %squeeze3A {strides = array<i32>} : memref<20480xf32, #tpu.memory_space<vmem>>, vector<20480xf32>,
    %get3A_7 = arith.constant 0 : index
    %get3A_8 = arith.constant 0 : index
    %get3A_9 = vector.load %arg2[%get3A_7, %get3A_8] : memref<1x64xf32, #tpu.memory_space<vmem>>, vector<1x64xf32>
    %get3A_10 = arith.constant 0 : index
    %get3A_11 = arith.constant 0 : index
    %get3A_12 = vector.load %arg4[%get3A_10, %get3A_11] : memref<64x20480xf32, #tpu.memory_space<vmem>>, vector<64x20480xf32>
    %dot_general3A_13 = arith.constant dense<0.000000e+00> : vector<1x20480xf32>
    %dot_general3A_14 = tpu.matmul %get3A_9, %get3A_12, %dot_general3A_13 {dimension_numbers = #tpu.dot_dimension_numbers<[1], [0], [0], [1], [0, 0, 1, 1], [], []>, transpose_lhs_hint = false} : vector<1x64xf32>, vector<64x20480xf32>, vector<1x20480xf32> -> vector<1x20480xf32>
    %squeeze3A_15 = vector.shape_cast %dot_general3A_14 : vector<1x20480xf32> to vector<20480xf32>
    %swap3A_16 = arith.constant 0 : index
    %swap3A_17 = vector.load %arg6[%swap3A_16] : memref<20480xf32, #tpu.memory_space<vmem>>, vector<20480xf32>
    tpu.vector_store %arg6[%swap3A_16], %squeeze3A_15 {strides = array<i32>} : memref<20480xf32, #tpu.memory_space<vmem>>, vector<20480xf32>,
    return
  }
  func.func @transform_0(%arg0: i32) -> (i32, i32) {
    %c0_i32 = arith.constant 0 : i32
    %c0_i32_0 = arith.constant 0 : i32
    %c0_i32_1 = arith.constant 0 : i32
    return %c0_i32, %c0_i32_0 : i32, i32
  }
  func.func @transform_1(%arg0: i32) -> (i32, i32) {
    %c0_i32 = arith.constant 0 : i32
    %c0_i32_0 = arith.constant 0 : i32
    %c0_i32_1 = arith.constant 0 : i32
    return %c0_i32, %c0_i32_0 : i32, i32
  }
  func.func @transform_2(%arg0: i32) -> (i32, i32) {
    %c0_i32 = arith.constant 0 : i32
    %c0_i32_0 = arith.constant 0 : i32
    return %c0_i32, %arg0 : i32, i32
  }
  func.func @transform_3(%arg0: i32) -> (i32, i32) {
    %c0_i32 = arith.constant 0 : i32
    %c0_i32_0 = arith.constant 0 : i32
    return %c0_i32, %arg0 : i32, i32
  }
  func.func @transform_4(%arg0: i32) -> i32 {
    %c0_i32 = arith.constant 0 : i32
    return %arg0 : i32
  }
  func.func @transform_5(%arg0: i32) -> i32 {
    %c0_i32 = arith.constant 0 : i32
    return %arg0 : i32
  }
}

</mosaic_0001>

<sc_bundles>
// kernel: kernel.4.cloned.1.call-start
scs
__scs_entry_jumppad:
0x0: {  	(pc) =	sbr.rel $0x88, $3  }
0x1: {  	(tag) =	ssettag $0x0;
	lr =	simm.s32 $0x1  }
0x2: {  	[smem:$0x3F9B] =	sst lr;
	_ =	strace $0xD0000000  }
0x3: {  	_ = 	snop  }
0x4: {  	_ = 	snop  }
0x5: {  	_ = 	snop  }
0x6: {  	_ = 	snop  }
0x7: {  	_ = 	snop  }
__scs_overlays_trampoline_lowered:
0x8: {  	[smem:$0x3FAA] =	sst s0  }
0x9: {  	[smem:$0x3FAB] =	sst s1  }
0xa: {  	[smem:$0x3FAC] =	sst s2  }
0xb: {  	[smem:$0x3FAD] =	sst s3  }
0xc: {  	[smem:$0x3FAE] =	sst s4  }
0xd: {  	[smem:$0x3FAF] =	sst s5  }
0xe: {  	[smem:$0x3FB0] =	sst s6  }
0xf: {  	[smem:$0x3FB1] =	sst s7  }
0x10: {  	[smem:$0x3FB2] =	sst s8  }
0x11: {  	[smem:$0x3FB3] =	sst s9;
	s0 =	simm.s32 @!p0 $0x0  }
0x12: {  	s1 =	sld [smem:$0x3F99];
	s0 =	simm.s32 @p0 $0x1  }
0x13: {  	[smem:$0x3FB4] =	sst s0;
	s0 =	simm.s32 @!p1 $0x0  }
0x14: {  	s2 =	sld [smem:$0x3F98];
	s0 =	simm.s32 @p1 $0x1  }
0x15: {  	[smem:$0x3FB5] =	sst s0;
	s0 =	simm.s32 @!p2 $0x0  }
0x16: {  	s3 =	sld [smem:$0x3FDB];
	s0 =	simm.s32 @p2 $0x1  }
0x17: {  	s4 =	simm.s32 $0x1BF5;
	[smem:$0x3FB7] =	sst s0  }
0x18: {  	s0 =	sld [smem:$0x3F9A];
	_ =	swait.ge [sflag:s4], $0x0  }
0x19: {  	s7 =	sld [smem:$0x3F9B]  }
0x1a: {  	s8 =	sadd.s32 $0xFFFFE003, lr  }
0x1b: {  	s9 =	sadd.s32 $0xFFFFFEF7, lr;
	s5 =	simm.s32 $0xFFFFFFFF;
	p2 =	slt.u32 s8, $0xFFFFF086  }
0x1c: {  	p1 =	slt.u32 s9, $0xF7A;
	s5 =	simm.s32 @!p2 $0x0  }
0x1d: {  	s5 =	simm.s32 @p1 $0x1;
	p0 =	seq.s32 s7, s2  }
0x1e: {  	s7 =	smul.u32 @!p0 $0xF7A, s2;
	p2 =	seq.s32 @!p0 s5, $0x0  }
0x1f: {  	s9 =	smul.u32 $0xF7A, s1;
	s8 =	simm.s32 @!p0 $0x1BF5;
	p2 =	por !p2, p0  }
0x20: {  	[sflag:s8] =	ssyncset.s32 @!p0 $0xFFFFF086;
	s6 =	sadd.s32 @!p0 s3, s7;
	s7 =	simm.s32 @!p0 $0x108  }
0x21: {  	s3 =	sadd.s32 s3, s9;
	s6 =	sadd.s32 @!p0 $0x88, s6;
	s7 =	simm.s32 @p2 $0x1082  }
0x22: {  	[simem:s7], [sflag:s8] =	dma.local @!p0 [hbm:s6], $0xF7A  }
0x23: {  	s9 =	sor.u32 $0xD0000000, s2;
	s6 =	simm.s32 $0x108;
	_ =	swait.ge @!p0 [sflag:s8], $0x0  }
0x24: {  	s3 =	sadd.s32 $0x88, s3;
	s6 =	simm.s32 @!p1 $0x1082;
	[sflag:s4] =	ssyncset.s32 $0xFFFFF086  }
0x25: {  	[simem:s6], [sflag:s4] =	dma.local [hbm:s3], $0xF7A  }
0x26: {  	[smem:$0x3F9B] =	sst s1;
	(tag) =	ssettag s2;
	_ =	strace s9  }
0x27: {  	s1 =	sld [smem:$0x3FAB]  }
0x28: {  	s2 =	sld [smem:$0x3FAC]  }
0x29: {  	s4 =	sld [smem:$0x3FAE]  }
0x2a: {  	p0 =	seq.s32 s5, $0x0;
	s5 =	sld [smem:$0x3FAF]  }
0x2b: {  	s6 =	sld [smem:$0x3FB0]  }
0x2c: {  	s7 =	sld [smem:$0x3FB1]  }
0x2d: {  	s3 =	simm.s32 $0x108;
	s8 =	sld [smem:$0x3FB2]  }
0x2e: {  	s3 =	simm.s32 @!p0 $0x1082;
	s9 =	sld [smem:$0x3FB3]  }
0x2f: {  	lr =	sadd.s32 s0, s3;
	s0 =	sld [smem:$0x3FAA]  }
0x30: {  	s3 =	sld [smem:$0x3FAD]  }
0x31: {  	[smem:$0x3FB6] =	sst s10  }
0x32: {  	s10 =	sld [smem:$0x3FB4];
	_ =	sdelay $0x3  }
0x33: {  	p0 =	seq.s32 s10, $0x1;
	s10 =	sld [smem:$0x3FB6];
	_ =	sdelay $0x3  }
0x34: {  	[smem:$0x3FB6] =	sst s10  }
0x35: {  	s10 =	sld [smem:$0x3FB5];
	_ =	sdelay $0x3  }
0x36: {  	p1 =	seq.s32 s10, $0x1;
	s10 =	sld [smem:$0x3FB6];
	_ =	sdelay $0x3  }
0x37: {  	[smem:$0x3FB6] =	sst s10  }
0x38: {  	s10 =	sld [smem:$0x3FB7]  }
0x39: {  	_ = 	snop;
	(pc) =	sbr.ind lr, $3  }
0x3a: {  	_ = 	snop  }
0x3b: {  	_ = 	snop  }
0x3c: {  	p2 =	seq.s32 s10, $0x1;
	s10 =	sld [smem:$0x3FB6]  }
0x3d: {  	_ =	shalt  }
0x3e: {  	_ =	shalt  }
0x3f: {  	_ =	shalt  }
0x40: {  	_ =	shalt  }
0x41: {  	_ =	shalt  }
0x42: {  	_ =	shalt  }
0x43: {  	_ =	shalt  }
0x44: {  	_ =	shalt  }
0x45: {  	_ =	shalt  }
0x46: {  	_ =	shalt  }
0x47: {  	_ =	shalt  }
0x48: {  	_ =	shalt  }
0x49: {  	_ =	shalt  }
0x4a: {  	_ =	shalt  }
0x4b: {  	_ =	shalt  }
0x4c: {  	_ =	shalt  }
0x4d: {  	_ =	shalt  }
0x4e: {  	_ =	shalt  }
0x4f: {  	_ =	shalt  }
0x50: {  	_ =	shalt  }
0x51: {  	_ =	shalt  }
0x52: {  	_ =	shalt  }
0x53: {  	_ =	shalt  }
0x54: {  	_ =	shalt  }
0x55: {  	_ =	shalt  }
0x56: {  	_ =	shalt  }
0x57: {  	_ =	shalt  }
0x58: {  	_ =	shalt  }
0x59: {  	_ =	shalt  }
0x5a: {  	_ =	shalt  }
0x5b: {  	_ =	shalt  }
0x5c: {  	_ =	shalt  }
0x5d: {  	_ =	shalt  }
0x5e: {  	_ =	shalt  }
0x5f: {  	_ =	shalt  }
0x60: {  	_ =	shalt  }
0x61: {  	_ =	shalt  }
0x62: {  	_ =	shalt  }
0x63: {  	_ =	shalt  }
0x64: {  	_ =	shalt  }
0x65: {  	_ =	shalt  }
0x66: {  	_ =	shalt  }
0x67: {  	_ =	shalt  }
0x68: {  	_ =	shalt  }
0x69: {  	_ =	shalt  }
0x6a: {  	_ =	shalt  }
0x6b: {  	_ =	shalt  }
0x6c: {  	_ =	shalt  }
0x6d: {  	_ =	shalt  }
0x6e: {  	_ =	shalt  }
0x6f: {  	_ =	shalt  }
0x70: {  	_ =	shalt  }
0x71: {  	_ =	shalt  }
0x72: {  	_ =	shalt  }
0x73: {  	_ =	shalt  }
0x74: {  	_ =	shalt  }
0x75: {  	_ =	shalt  }
0x76: {  	_ =	shalt  }
0x77: {  	_ =	shalt  }
0x78: {  	_ =	shalt  }
0x79: {  	_ =	shalt  }
0x7a: {  	_ =	shalt  }
0x7b: {  	_ =	shalt  }
0x7c: {  	_ =	shalt  }
0x7d: {  	_ =	shalt  }
0x7e: {  	_ =	shalt  }
0x7f: {  	_ =	shalt  }
0x80: {  	_ =	shalt  }
0x81: {  	_ =	shalt  }
0x82: {  	_ =	shalt  }
0x83: {  	_ =	shalt  }
0x84: {  	_ =	shalt  }
0x85: {  	_ =	shalt  }
0x86: {  	_ =	shalt  }
0x87: {  	_ =	shalt  }
.Lfunc_end0:
.L_simem_size_0:
called_computation_lowered:
.L_overlay_start_0:
0x88: {  	s2 =	sld [smem:$0x3FD9]  }
0x89: {  	s3 =	sld [smem:$0x3FFE];
	_ =	sdelay $0x1  }
0x8a: {  	s1 =	srdreg.scid  }
0x8b: {  	s0 =	sand.u32 $0x1, s1  }
0x8c: {  	s17 =	sshll.u32 s0, $0xA;
	s2 =	sadd.s32 s3, s2  }
0x8d: {  	s2 =	sadd.s32 s2, s17  }
0x8e: {  	[smem:$0x3FC2] =	sst s2  }
0x8f: {  	_ = 	snop  }
0x90: {  	s2 =	sld [smem:$0x3FC9]  }
0x91: {  	s18 =	sld [smem:$0x3FC8]  }
0x92: {  	s4 =	sld [smem:$0x3FD0];
	(tm) =	ssettm $0x1  }
0x93: {  	s5 =	sld [smem:$0x3FFB];
	_ =	sdelay $0x3  }
0x94: {  	_ =	strace s5  }
0x95: {  	s5 =	sld [smem:$0x3FFC];
	_ =	sdelay $0x3  }
0x96: {  	_ =	strace s5  }
0x97: {  	s5 =	sld [smem:$0x3FFD];
	_ =	sdelay $0x3  }
0x98: {  	_ =	strace s5  }
0x99: {  	_ =	strace $0x8FFFFFFF  }
0x9a: {  	s19 =	sld [smem:$0x3FDB];
	_ =	sdelay $0x1  }
0x9b: {  	s6 =	simm.s32 $_scs_section_size  }
0x9c: {  	s7 =	simm.s32 $_size__tile_overlayer_lowered;
	s8 =	simm.s32 $_tile_overlayer_lowered  }
0x9d: {  	s22 =	simm.s32 $0x1BFF;
	s21 =	sshll.u32 s8, $0x1;
	s5 =	sadd.s32 s6, s19  }
0x9e: {  	s9 =	simm.s32 $0x0;
	s20 =	sshll.u32 s7, $0x1;
	s7 =	sadd.s32 s21, s5  }
0x9f: {  	[timem:s9], [sflag:s22] =	dma.local [hbm:s7], s20  }
0xa0: {  	_ =	swait.ge [sflag:s22], s20  }
0xa1: {  	s6 =	ssub.s32 $0x0, s20;
	[sflag:s22] =	ssyncset.done $0x0  }
0xa2: {  	[sflag:s22] =	ssyncadd.s32 s6;
	_ =	sdelay $0x1  }
0xa3: {  	s23 =	simm.s32 $0x1B8B  }
0xa4: {  	_ =	swait.ge [sflag:s23], $0x1  }
0xa5: {  	[sflag:s23] =	ssyncset.done $0x0  }
0xa6: {  	s25 =	simm.s32 $0x1B8E;
	s24 =	sld [smem:$0x3FFE];
	[sflag:s23] =	ssyncadd.s32 $0xFFFFFFFF  }
0xa7: {  	s26 =	simm.s32 $execute0_lowered;
	[smem:$0x3FD2] =	sst s25  }
0xa8: {  	s7 =	sshll.u32 s26, $0x1;
	_ =	strace $0x80000046;
	[dreg:$0x1] =	wrdreg $0xFFFFFFFF  }
0xa9: {  	s28 =	simm.s32 $_size_execute0_lowered;
	s5 =	sadd.s32 s5, s7;
	[dreg:$0x0] =	wrdreg $0x0  }
0xaa: {  	s7 =	sshll.u32 s28, $0x1;
	[dreg:$0x2] =	wrdreg s5  }
0xab: {  	[dreg:$0x3] =	wrdreg s7  }
0xac: {  	[dreg:$0x4] =	wrdreg $0xC0  }
0xad: {  	_ =	task [dreg:s9], $0x5FFFF  }
0xae: {  	[dreg:$0x1] =	wrdreg $0xFFFFFFFF  }
0xaf: {  	[dreg:$0x0] =	wrdreg $0x60  }
0xb0: {  	[dreg:$0x2] =	wrdreg s2  }
0xb1: {  	[dreg:$0x3] =	wrdreg s18  }
0xb2: {  	[dreg:$0x4] =	wrdreg s24  }
0xb3: {  	[dreg:$0x5] =	wrdreg s4  }
0xb4: {  	[dreg:$0x6] =	wrdreg $0x9  }
0xb5: {  	_ =	task.clear_ibuf [dreg:s9], $0x7FFFF;
	_ =	strace $0x90000046  }
0xb6: {  	s29 =	simm.s32 $0x9;
	_ =	strace $0x80000048  }
0xb7: {  	_ =	swait.ge [sflag:s29], $0x1  }
0xb8: {  	[sflag:s29] =	ssyncadd.s32 $0xFFFFFFFF  }
0xb9: {  	_ =	strace $0x90000048  }
0xba: {  	_ =	sfence  }
0xbb: {  	s30 =	sld [smem:$0x0];
	_ =	sdelay $0x2  }
0xbc: {  	s31 =	sshll.u32 s1, $0xD;
	s1 =	sshrl.u32 s1, $0x2  }
0xbd: {  	s3 =	sand.u32 $0x4000, s31;
	s1 =	sadd.s32 s1, s30  }
0xbe: {  	s0 =	sor.u32 s3, s0;
	s1 =	sshll.u32 s1, $0x11  }
0xbf: {  	s0 =	sor.u32 s1, s0  }
0xc0: {  	s0 =	sadd.s32 $0x8F2B, s0  }
0xc1: {  	[sflag:s0] =	ssyncadd.remote.s32 $0x1  }
0xc2: {  	_ =	sfence.sel $0xFFFF  }
0xc3: {  	[dreg:$0x0] =	wrdreg $0xFFFFFFFF;
	(pc) =	sbr.abs _section_cstart, $3  }
0xc4: {  	[dreg:$0x1] =	wrdreg $0xFFFFFFFF  }
0xc5: {  	_ =	task.clear_ibuf [dreg:s9], $0x2FFFF;
	_ =	strace $0x9FFFFFFF  }
0xc6: {  	(tm) =	ssettm $0x7FFFFFFF  }
0xc7: {  	_ =	shalt  }
tec
execute0_lowered:
.L_overlay_start_1:
0x0: {  	(tag) =	ssettag $0x1  }
0x1: {  	s0 =	rddreg [dreg:$0x0]  }
0x2: {  	s7 =	rddreg [dreg:$0x1]  }
0x3: {  	s5 =	rddreg [dreg:$0x2]  }
0x4: {  	s8 =	rddreg [dreg:$0x3]  }
0x5: {  	s1 =	simm.s32 $0x0;
	s2 =	srdreg.scid;
	s26 =	stileid.u32  }
0x6: {  	s12 =	simm.s32 $0x800;
	s13 =	simm.s32 $0x80;
	s14 =	simm.s32 $0x400  }
0x7: {  	s15 =	simm.s32 $0x600;
	s16 =	simm.s32 $0x480;
	s17 =	simm.s32 $0x280  }
0x8: {  	s18 =	simm.s32 $0x680;
	s19 =	simm.s32 $0x100;
	s20 =	simm.s32 $0x500  }
0x9: {  	s21 =	simm.s32 $0x300;
	s22 =	simm.s32 $0x700;
	s23 =	simm.s32 $0x180  }
0xa: {  	s24 =	simm.s32 $0x580;
	s25 =	simm.s32 $0x380;
	s28 =	simm.s32 $0x1  }
0xb: {  	s29 =	simm.s32 $0x880;
	s30 =	simm.s32 $0x0;
	[smem:$0x7FF] =	sst s1  }
0xc: {  	s3 =	sadd.s32 $0xC00, s5;
	s6 =	sand.u32 $0x1, s2;
	s4 =	sadd.s32 $0x1F600, s5  }
0xd: {  	s11 =	sshll.u32 s26, $0x7;
	s5 =	sadd.s32 $0x3E000, s5;
	s26 =	simm.s32 $0x780  }
0xe: {  	_ =	strace $0x80000047;
	s9 =	ssub.s32 $0x2, s6;
	s6 =	sshll.u32 s6, $0x6  }
0xf: {  	s10 =	sshrl.u32 s9, $0x1;
	s31 =	sor.u32 s6, s11;
	s11 =	simm.s32 $0x200  }
0x10: {  	s9 =	ssub.s32 s9, s10;
	s6 =	sadd.s32 s0, s31;
	s7 =	sadd.s32 s7, s31  }
0x11: {  	s8 =	sadd.s32 s8, s31;
	s10 =	simm.s32 $0x2;
	s9 =	smax.u32 s9, $0x1  }
.LBB2_1:
0x12: {  	[tilespmem:s1], [sflag:$0x2] =	stream.linear.gather [hbm4b:s6+s1], $0x200, $0x38;
	[tilespmem:$0xA80] =	vst v63  }
0x13: {  	_ =	swait.ge [sflag:s10], $0x200  }
0x14: {  	[sflag:s10] =	ssyncset.done $0x0  }
0x15: {  	[sflag:s10] =	ssyncadd.s32 $0xFFFFFE00  }
0x16: {  	[tilespmem:s11], [sflag:$0x2] =	stream.linear.gather [hbm4b:s7+s1], $0x200, $0x38;
	[tilespmem:$0xA80] =	vst v63  }
0x17: {  	_ =	swait.ge [sflag:s10], $0x200  }
0x18: {  	[sflag:s10] =	ssyncset.done $0x0  }
0x19: {  	[sflag:s10] =	ssyncadd.s32 $0xFFFFFE00  }
0x1a: {  	[tilespmem:s12], [sflag:$0x2] =	stream.linear.gather [hbm4b:s5+s1], $0x80, $0x38;
	[tilespmem:$0xA80] =	vst v63  }
0x1b: {  	_ =	swait.ge [sflag:s10], $0x80  }
0x1c: {  	[sflag:s10] =	ssyncset.done $0x0  }
0x1d: {  	[sflag:s10] =	ssyncadd.s32 $0xFFFFFF80  }
0x1e: {  	[tilespmem:s14], [sflag:$0x1] =	stream.indirect.gather [hbm4b:s3+s13], $0x1, s1, s13, $0xb8;
	[tilespmem:$0xA80] =	vst v63  }
0x1f: {  	_ = 	snop  }
0x20: {  	[tilespmem:s15], [sflag:$0x1] =	stream.indirect.gather [hbm4b:s4+s13], $0x1, s11, s13, $0xb8;
	[tilespmem:$0xA80] =	vst v63  }
0x21: {  	_ = 	snop  }
0x22: {  	[tilespmem:s16], [sflag:$0x1] =	stream.indirect.gather [hbm4b:s3+s13], $0x1, s13, s13, $0xb8;
	[tilespmem:$0xA80] =	vst v63  }
0x23: {  	_ = 	snop  }
0x24: {  	[tilespmem:s18], [sflag:$0x1] =	stream.indirect.gather [hbm4b:s4+s13], $0x1, s17, s13, $0xb8;
	[tilespmem:$0xA80] =	vst v63  }
0x25: {  	_ = 	snop  }
0x26: {  	[tilespmem:s20], [sflag:$0x1] =	stream.indirect.gather [hbm4b:s3+s13], $0x1, s19, s13, $0xb8;
	[tilespmem:$0xA80] =	vst v63  }
0x27: {  	_ = 	snop  }
0x28: {  	[tilespmem:s22], [sflag:$0x1] =	stream.indirect.gather [hbm4b:s4+s13], $0x1, s21, s13, $0xb8;
	[tilespmem:$0xA80] =	vst v63  }
0x29: {  	_ = 	snop  }
0x2a: {  	[tilespmem:s24], [sflag:$0x1] =	stream.indirect.gather [hbm4b:s3+s13], $0x1, s23, s13, $0xb8;
	[tilespmem:$0xA80] =	vst v63  }
0x2b: {  	_ = 	snop  }
0x2c: {  	[tilespmem:s26], [sflag:$0x1] =	stream.indirect.gather [hbm4b:s4+s13], $0x1, s25, s13, $0xb8;
	[tilespmem:$0xA80] =	vst v63  }
0x2d: {  	_ =	swait.ge [sflag:s28], $0x80  }
0x2e: {  	[sflag:s28] =	ssyncset.done $0x0  }
0x2f: {  	[sflag:s28] =	ssyncadd.s32 $0xFFFFFF80  }
0x30: {  	_ =	swait.ge [sflag:s28], $0x80  }
0x31: {  	[sflag:s28] =	ssyncset.done $0x0  }
0x32: {  	[sflag:s28] =	ssyncadd.s32 $0xFFFFFF80  }
0x33: {  	_ =	swait.ge [sflag:s28], $0x80  }
0x34: {  	[sflag:s28] =	ssyncset.done $0x0  }
0x35: {  	[sflag:s28] =	ssyncadd.s32 $0xFFFFFF80  }
0x36: {  	_ =	swait.ge [sflag:s28], $0x80  }
0x37: {  	[sflag:s28] =	ssyncset.done $0x0  }
0x38: {  	[sflag:s28] =	ssyncadd.s32 $0xFFFFFF80  }
0x39: {  	_ =	swait.ge [sflag:s28], $0x80  }
0x3a: {  	[sflag:s28] =	ssyncset.done $0x0  }
0x3b: {  	[sflag:s28] =	ssyncadd.s32 $0xFFFFFF80  }
0x3c: {  	_ =	swait.ge [sflag:s28], $0x80  }
0x3d: {  	[sflag:s28] =	ssyncset.done $0x0  }
0x3e: {  	[sflag:s28] =	ssyncadd.s32 $0xFFFFFF80  }
0x3f: {  	_ =	swait.ge [sflag:s28], $0x80  }
0x40: {  	[sflag:s28] =	ssyncset.done $0x0  }
0x41: {  	[sflag:s28] =	ssyncadd.s32 $0xFFFFFF80  }
0x42: {  	_ =	swait.ge [sflag:s28], $0x80  }
0x43: {  	[sflag:s28] =	ssyncset.done $0x0  }
0x44: {  	s31 =	simm.s32 $0x0;
	[sflag:s28] =	ssyncadd.s32 $0xFFFFFF80  }
0x45: {  	v1 =	vld [tilespmem:s31+$0x400]  }
0x46: {  	v2 =	vld [tilespmem:s31+$0x600];
	_ =	sdelay $0x1  }
0x47: {  	v0 =	vld [tilespmem:$0x800]  }
0x48: {  	s0 =	simm.s32 $0x40  }
.LBB2_2:
0x49: {  	s2 =	sshra.s32 s0, $0x2;
	p0 =	sne.s32 s0, $0x7C0  }
.Ltmp0:
0x4a: {  	s0 =	sadd.s32 $0x40, s0;
	v3 =	vadd.f32 v2, v1;
	v1 =	vld [tilespmem:s2+$0x400];
	(pc) =	sbr.rel @p0 .LBB2_2-.Ltmp0, $3  }
0x4b: {  	v2 =	vld [tilespmem:s2+$0x600]  }
0x4c: {  	v3 =	vadd.f32 v3, v0;
	_ =	sdelay $0x1  }
0x4d: {  	[tilespmem:s31+$0x880] =	vst v3;
	s31 =	smov.u32 s2  }
0x4e: {  	_ = 	snop  }
0x4f: {  	v1 =	vadd.f32 v2, v1;
	_ =	sdelay $0x1  }
0x50: {  	s30 =	sadd.s32 $0x1, s30;
	v0 =	vadd.f32 v1, v0  }
0x51: {  	p0 =	sne.s32 s30, s9  }
.Ltmp1:
0x52: {  	[tilespmem:s31+$0x880] =	vst v0;
	(pc) =	sbr.rel @p0 .LBB2_1-.Ltmp1, $4  }
0x53: {  	[hbm4b:s8+s1] =	stream.linear.scatter [tilespmem:s29], [sflag:$0x2], $0x200, $0x38;
	[tilespmem:$0xA80] =	vst v63  }
0x54: {  	_ =	swait.ge [sflag:s10], $0x200  }
0x55: {  	[sflag:s10] =	ssyncset.done $0x0  }
0x56: {  	[sflag:s10] =	ssyncadd.s32 $0xFFFFFE00  }
0x57: {  	_ =	sfence.sel $0x180000  }
0x58: {  	[bflag:$0x0] =	sbarrier.arrive $0xFFFF  }
0x59: {  	_ =	strace $0x90000047  }
0x5a: {  	s0 =	stileid.u32;
	[bflag:$0x2] =	sbarrier.arrive $0xFFFF  }
0x5b: {  	p0 =	sne.s32 s0, $0x0;
	s0 =	rddreg [dreg:$0x4]  }
0x5c: {  	s0 =	sadd.s32 @!p0 $0x100000, s0  }
0x5d: {  	[sflag:s0] =	ssyncadd.tile.s32 @!p0 $0x1;
	_ =	shalt  }
.Lfunc_end2:
_tile_overlayer_lowered:
.L_overlay_start_2:
0x5e: {  	(tag) =	ssettag $0x2  }
0x5f: {  	s0 =	rddreg [dreg:$0x0];
	s2 =	stileid.u32  }
0x60: {  	s1 =	rddreg [dreg:$0x1];
	p0 =	sne.s32 s2, $0x0  }
0x61: {  	s3 =	rddreg [dreg:$0x2];
	[bflag:$0x3] =	sbarrier.arrive $0xFFFF;
	s2 =	simm.s32 @!p0 $0x1C02  }
0x62: {  	[timem:s3], [sflag:s2] =	dma.local @!p0 [hbm:s0], s1  }
0x63: {  	s0 =	simm.s32 @!p0 $0x2  }
0x64: {  	_ =	swait.ge @!p0 [sflag:s0], s1  }
0x65: {  	s1 =	ssub.s32 @!p0 $0x0, s1;
	[sflag:s0] =	ssyncset.done @!p0 $0x0  }
0x66: {  	[sflag:s0] =	ssyncadd.s32 @!p0 s1  }
0x67: {  	[bflag:$0x3] =	sbarrier.arrive $0xFFFF  }
0x68: {  	_ =	shalt  }

</sc_bundles>
